<compile_context>
chip_gen: v7x
topology: tpu7x:2x2x1
jax: 0.10.2.dev20260603
libtpu: 0.0.44.dev20260713+nightly
codegen_flags: <defaults>
</compile_context>

<pallas_src>
import functools

import jax
import jax.numpy as jnp
from jax import lax
from jax.experimental import pallas as pl
from jax.experimental.pallas import tpu as pltpu
from jax.experimental.pallas import tpu_sc as plsc

VOCAB = 100000
EMBED_DIM = 64
CONTEXT = 200
HIDDEN = 128
FAN_IN = CONTEXT * EMBED_DIM

ROWS_PER_STEP = 8
A_STEPS = CONTEXT // ROWS_PER_STEP
A_COLS = ROWS_PER_STEP * EMBED_DIM

BLK = 4096
NB = (VOCAB + BLK - 1) // BLK

PAD_B = 512


def _gather_sc(emb, idx_padded):
    info = plsc.get_sparse_core_info()
    nw = info.num_cores * info.num_subcores
    rpt = PAD_B // nw
    mesh = plsc.VectorSubcoreMesh(core_axis_name="c", subcore_axis_name="s")

    @functools.partial(
        pl.kernel,
        mesh=mesh,
        out_type=jax.ShapeDtypeStruct((PAD_B, EMBED_DIM), jnp.float32),
        scratch_types=[
            pltpu.VMEM((rpt,), jnp.int32),
            pltpu.VMEM((rpt, EMBED_DIM), jnp.float32),
            pltpu.SemaphoreType.DMA,
        ],
        compiler_params=pltpu.CompilerParams(use_tc_tiling_on_sc=False),
    )
    def gather_kernel(table_hbm, idx_hbm, out_hbm, idx_v, rows_v, sem):
        wid = lax.axis_index("s") * info.num_cores + lax.axis_index("c")
        base = wid * rpt
        pltpu.sync_copy(idx_hbm.at[pl.ds(base, rpt)], idx_v)
        pltpu.async_copy(table_hbm.at[idx_v], rows_v, sem).wait()
        pltpu.sync_copy(rows_v, out_hbm.at[pl.ds(base, rpt)])

    return gather_kernel(emb, idx_padded)


def _hidden(gathered, W1, b1):
    def body(e_ref, w1_ref, b1_ref, out_ref, acc_ref):
        i = pl.program_id(0)

        @pl.when(i == 0)
        def _():
            acc_ref[...] = b1_ref[...]

        acc = acc_ref[...]
        for k in range(ROWS_PER_STEP):
            acc += lax.dot_general(
                e_ref[k:k + 1, :],
                w1_ref[:, k * EMBED_DIM:(k + 1) * EMBED_DIM],
                (((1,), (1,)), ((), ())),
                preferred_element_type=jnp.float32)
        acc_ref[...] = acc

        @pl.when(i == A_STEPS - 1)
        def _():
            out_ref[...] = jnp.maximum(acc, 0.0)

    return pl.pallas_call(
        body,
        grid=(A_STEPS,),
        in_specs=[
            pl.BlockSpec((ROWS_PER_STEP, EMBED_DIM), lambda i: (i, 0)),
            pl.BlockSpec((HIDDEN, A_COLS), lambda i: (0, i)),
            pl.BlockSpec((1, HIDDEN), lambda i: (0, 0)),
        ],
        out_specs=pl.BlockSpec((1, HIDDEN), lambda i: (0, 0)),
        out_shape=jax.ShapeDtypeStruct((1, HIDDEN), jnp.float32),
        scratch_shapes=[pltpu.VMEM((1, HIDDEN), jnp.float32)],
    )(gathered, W1, b1.reshape(1, HIDDEN))


def _logits(h, W2, b2):
    def body(h_ref, w2_ref, b2_ref, out_ref):
        hb = h_ref[...].astype(jnp.bfloat16)
        wb = w2_ref[...].astype(jnp.bfloat16)
        out_ref[...] = lax.dot_general(
            hb, wb, (((1,), (1,)), ((), ())),
            preferred_element_type=jnp.float32) + b2_ref[...]

    return pl.pallas_call(
        body,
        grid=(NB,),
        in_specs=[
            pl.BlockSpec((1, HIDDEN), lambda i: (0, 0)),
            pl.BlockSpec((BLK, HIDDEN), lambda i: (i, 0)),
            pl.BlockSpec((1, BLK), lambda i: (0, i)),
        ],
        out_specs=pl.BlockSpec((1, BLK), lambda i: (0, i)),
        out_shape=jax.ShapeDtypeStruct((1, VOCAB), jnp.float32),
        compiler_params=pltpu.CompilerParams(
            dimension_semantics=("parallel",)),
    )(h, W2, b2.reshape(1, VOCAB))


def _log_softmax(logits):
    def body(x_ref, o_ref):
        x = x_ref[...]
        m = jnp.max(x)
        lse = jnp.log(jnp.sum(jnp.exp(x - m))) + m
        o_ref[...] = x - lse

    return pl.pallas_call(
        body,
        out_shape=jax.ShapeDtypeStruct((1, VOCAB), jnp.float32),
    )(logits)


def kernel(inputs, emb, W1, b1, W2, b2):
    idx = jnp.zeros((PAD_B,), jnp.int32).at[:CONTEXT].set(inputs)
    gathered = _gather_sc(emb, idx)
    h = _hidden(gathered, W1, b1)
    logits = _logits(h, W2, b2)
    return _log_softmax(logits)

# --- scband reference (transcript-rebuilt; emitter-appended) ---
"""Pipeline reference for scband-ngram-13151189861127 (READ-ONLY COPY).

The authoritative reference and input builder live on the scoring server;
editing this copy changes nothing except your own understanding.
"""

import jax, jax.numpy as jnp
import numpy as np

VOCAB = 100000
EMBED_DIM = 64
CONTEXT = 200
HIDDEN = 128


def setup_inputs(seed: int = 0) -> dict:
    key = jax.random.key(seed)
    k_idx, k_emb, k_w1, k_b1, k_w2, k_b2 = jax.random.split(key, 6)
    inputs = jax.random.randint(k_idx, (CONTEXT,), 0, VOCAB, dtype=jnp.int64 if jax.config.jax_enable_x64 else jnp.int32).astype(jnp.int32)
    emb = jax.random.uniform(k_emb, (VOCAB, EMBED_DIM), dtype=jnp.float32, minval=-0.1, maxval=0.1)
    fan_in1 = CONTEXT * EMBED_DIM
    bound1 = 1.0 / np.sqrt(fan_in1)
    W1 = jax.random.uniform(k_w1, (HIDDEN, fan_in1), dtype=jnp.float32, minval=-bound1, maxval=bound1)
    b1 = jax.random.uniform(k_b1, (HIDDEN,), dtype=jnp.float32, minval=-bound1, maxval=bound1)
    bound2 = 1.0 / np.sqrt(HIDDEN)
    W2 = jax.random.uniform(k_w2, (VOCAB, HIDDEN), dtype=jnp.float32, minval=-bound2, maxval=bound2)
    b2 = jax.random.uniform(k_b2, (VOCAB,), dtype=jnp.float32, minval=-bound2, maxval=bound2)
    return {"inputs": inputs, "emb": emb, "W1": W1, "b1": b1, "W2": W2, "b2": b2}


def reference(inputs, emb, W1, b1, W2, b2):
    # embedding lookup (SparseCore gather) then flatten to a single row
    embeds = jnp.take(emb, inputs, axis=0).reshape(1, -1)
    out = jax.nn.relu(embeds @ W1.T + b1)
    out = out @ W2.T + b2
    log_probs = jax.nn.log_softmax(out, axis=-1)
    return log_probs

if __name__ == "__main__":
    import jax
    _d = setup_inputs()
    print(jax.jit(kernel)(*tuple(_d.values())))

</pallas_src>

<mosaic_0001>
#map = affine_map<(d0, d1) -> (0, 0)>
#map1 = affine_map<(d0, d1) -> (0)>
module attributes {stable_mosaic.version = 14 : i64} {
  func.func @gather_kernel(%arg0: i32, %arg1: i32, %arg2: memref<100000x64xf32, #tpu.memory_space<hbm>>, %arg3: memref<512xi32, #tpu.memory_space<hbm>>, %arg4: memref<512x64xf32, #tpu.memory_space<hbm>>, %arg5: memref<16xi32, #tpu.memory_space<vmem>>, %arg6: memref<16x64xf32, #tpu.memory_space<vmem>>, %arg7: memref<!tpu.dma_semaphore, #tpu.memory_space<semaphore_mem>>) attributes {dimension_semantics = [#tpu.dimension_semantics<core_parallel>, #tpu.dimension_semantics<subcore_parallel>], iteration_bounds = array<i64: 2, 16>, scalar_prefetch = 0 : i64, scratch_operands = 3 : i64, tpu.core_type = #tpu.core_type<sc_vector_subcore>, window_params = [{transform_indices = #map}, {transform_indices = #map1}, {transform_indices = #map}]} {
    %mul3A = arith.constant 2 : i32
    %mul3A_0 = arith.muli %arg1, %mul3A : i32
    %add3A = arith.addi %mul3A_0, %arg0 : i32
    %mul3A_1 = arith.constant 16 : i32
    %mul3A_2 = arith.muli %add3A, %mul3A_1 : i32
    "tpu.region"() ({
      %run_scoped3A = tpu.sem_alloc : memref<!tpu.dma_semaphore, #tpu.memory_space<semaphore_mem>>
      %dma_start3A_7 = tpu.memref_slice %arg3[%mul3A_2] : memref<512xi32, #tpu.memory_space<hbm>> -> memref<16xi32, #tpu.memory_space<hbm>>
      %dma_start3A_8 = tpu.memref_slice %arg3[%mul3A_2] : memref<512xi32, #tpu.memory_space<hbm>> -> memref<16xi32, #tpu.memory_space<hbm>>
      tpu.enqueue_dma source(%dma_start3A_8 : memref<16xi32, #tpu.memory_space<hbm>>) target(%arg5 : memref<16xi32, #tpu.memory_space<vmem>>) target_semaphore(%run_scoped3A : memref<!tpu.dma_semaphore, #tpu.memory_space<semaphore_mem>>)
      %dma_wait3A_9 = tpu.memref_slice %arg3[%mul3A_2] : memref<512xi32, #tpu.memory_space<hbm>> -> memref<16xi32, #tpu.memory_space<hbm>>
      %dma_wait3A_10 = tpu.memref_slice %arg3[%mul3A_2] : memref<512xi32, #tpu.memory_space<hbm>> -> memref<16xi32, #tpu.memory_space<hbm>>
      tpu.wait_dma2 semaphore(%run_scoped3A : memref<!tpu.dma_semaphore, #tpu.memory_space<semaphore_mem>>) src(%dma_wait3A_10 : memref<16xi32, #tpu.memory_space<hbm>>) dst(%arg5 : memref<16xi32, #tpu.memory_space<vmem>>)
      tpu.yield
    }) : () -> ()
    %dma_start3A = arith.constant 0 : i32
    %dma_start3A_3 = arith.constant 0 : i32
    %dma_start3A_4 = tpu.memref_slice %arg2[%dma_start3A, %dma_start3A_3] : memref<100000x64xf32, #tpu.memory_space<hbm>> -> memref<100000x64xf32, #tpu.memory_space<hbm>>
    tpu.enqueue_indirect_dma source(%dma_start3A_4 : memref<100000x64xf32, #tpu.memory_space<hbm>>) target(%arg6 : memref<16x64xf32, #tpu.memory_space<vmem>>) offsets(%arg5 : memref<16xi32, #tpu.memory_space<vmem>>) semaphore(%arg7 : memref<!tpu.dma_semaphore, #tpu.memory_space<semaphore_mem>>)
    %dma_wait3A = arith.constant 0 : i32
    %dma_wait3A_5 = arith.constant 0 : i32
    %dma_wait3A_6 = tpu.memref_slice %arg2[%dma_wait3A, %dma_wait3A_5] : memref<100000x64xf32, #tpu.memory_space<hbm>> -> memref<100000x64xf32, #tpu.memory_space<hbm>>
    tpu.wait_indirect_dma semaphore(%arg7 : memref<!tpu.dma_semaphore, #tpu.memory_space<semaphore_mem>>) src(%dma_wait3A_6 : memref<100000x64xf32, #tpu.memory_space<hbm>>) dst(%arg6 : memref<16x64xf32, #tpu.memory_space<vmem>>)
    "tpu.region"() ({
      %run_scoped3A = tpu.sem_alloc : memref<!tpu.dma_semaphore, #tpu.memory_space<semaphore_mem>>
      %dma_start3A_7 = arith.constant 0 : i32
      %dma_start3A_8 = tpu.memref_slice %arg4[%mul3A_2, %dma_start3A_7] : memref<512x64xf32, #tpu.memory_space<hbm>> -> memref<16x64xf32, #tpu.memory_space<hbm>>
      %dma_start3A_9 = arith.constant 0 : i32
      %dma_start3A_10 = tpu.memref_slice %arg4[%mul3A_2, %dma_start3A_9] : memref<512x64xf32, #tpu.memory_space<hbm>> -> memref<16x64xf32, #tpu.memory_space<hbm>>
      tpu.enqueue_dma source(%arg6 : memref<16x64xf32, #tpu.memory_space<vmem>>) target(%dma_start3A_10 : memref<16x64xf32, #tpu.memory_space<hbm>>) target_semaphore(%run_scoped3A : memref<!tpu.dma_semaphore, #tpu.memory_space<semaphore_mem>>)
      %dma_wait3A_11 = arith.constant 0 : i32
      %dma_wait3A_12 = tpu.memref_slice %arg4[%mul3A_2, %dma_wait3A_11] : memref<512x64xf32, #tpu.memory_space<hbm>> -> memref<16x64xf32, #tpu.memory_space<hbm>>
      %dma_wait3A_13 = arith.constant 0 : i32
      %dma_wait3A_14 = tpu.memref_slice %arg4[%mul3A_2, %dma_wait3A_13] : memref<512x64xf32, #tpu.memory_space<hbm>> -> memref<16x64xf32, #tpu.memory_space<hbm>>
      tpu.wait_dma2 semaphore(%run_scoped3A : memref<!tpu.dma_semaphore, #tpu.memory_space<semaphore_mem>>) src(%arg6 : memref<16x64xf32, #tpu.memory_space<vmem>>) dst(%dma_wait3A_14 : memref<16x64xf32, #tpu.memory_space<hbm>>)
      tpu.yield
    }) : () -> ()
    return
  }
}

module attributes {stable_mosaic.version = 14 : i64} {
  func.func @body(%arg0: i32, %arg1: memref<8x64xf32, #tpu.memory_space<vmem>>, %arg2: memref<128x512xf32, #tpu.memory_space<vmem>>, %arg3: memref<1x128xf32, #tpu.memory_space<vmem>>, %arg4: memref<1x128xf32, #tpu.memory_space<vmem>>, %arg5: memref<1x128xf32, #tpu.memory_space<vmem>>) attributes {dimension_semantics = [#tpu.dimension_semantics<arbitrary>], iteration_bounds = array<i64: 25>, scalar_prefetch = 0 : i64, scratch_operands = 1 : i64, tpu.core_type = #tpu.core_type<tc>, window_params = [{transform_indices = @transform_0, window_bounds = array<i64: 8, 64>}, {transform_indices = @transform_1, window_bounds = array<i64: 128, 512>}, {pipeline_mode = #tpu.pipeline_mode<synchronous>, transform_indices = @transform_2, window_bounds = array<i64: 1, 128>}, {pipeline_mode = #tpu.pipeline_mode<synchronous>, transform_indices = @transform_3, window_bounds = array<i64: 1, 128>}]} {
    %eq3A = arith.constant 0 : i32
    %eq3A_0 = arith.cmpi eq, %arg0, %eq3A : i32
    %convert_element_type3A = arith.extui %eq3A_0 : i1 to i32
    %cond3A = arith.constant 0 : i32
    %cond3A_1 = arith.cmpi ne, %convert_element_type3A, %cond3A : i32
    scf.if %cond3A_1 {
      %get3A_81 = arith.constant 0 : index
      %get3A_82 = arith.constant 0 : index
      %get3A_83 = vector.load %arg3[%get3A_81, %get3A_82] : memref<1x128xf32, #tpu.memory_space<vmem>>, vector<1x128xf32>
      %swap3A_84 = arith.constant 0 : index
      %swap3A_85 = arith.constant 0 : index
      %swap3A_86 = vector.load %arg5[%swap3A_84, %swap3A_85] : memref<1x128xf32, #tpu.memory_space<vmem>>, vector<1x128xf32>
      tpu.vector_store %arg5[%swap3A_84, %swap3A_85], %get3A_83 {strides = array<i32>} : memref<1x128xf32, #tpu.memory_space<vmem>>, vector<1x128xf32>,
    } else {
    }
    %get3A = arith.constant 0 : index
    %get3A_2 = arith.constant 0 : index
    %get3A_3 = vector.load %arg5[%get3A, %get3A_2] : memref<1x128xf32, #tpu.memory_space<vmem>>, vector<1x128xf32>
    %get3A_4 = arith.constant 0 : index
    %get3A_5 = arith.constant 0 : index
    %get3A_6 = vector.load %arg1[%get3A_4, %get3A_5] : memref<8x64xf32, #tpu.memory_space<vmem>>, vector<1x64xf32>
    %get3A_7 = arith.constant 0 : index
    %get3A_8 = arith.constant 0 : index
    %get3A_9 = vector.load %arg2[%get3A_7, %get3A_8] : memref<128x512xf32, #tpu.memory_space<vmem>>, vector<128x64xf32>
    %dot_general3A = arith.constant dense<0.000000e+00> : vector<1x128xf32>
    %dot_general3A_10 = tpu.matmul %get3A_6, %get3A_9, %dot_general3A {dimension_numbers = #tpu.dot_dimension_numbers<[1], [1], [0], [0], [0, 0, 1, 0], [], []>, transpose_lhs_hint = false} : vector<1x64xf32>, vector<128x64xf32>, vector<1x128xf32> -> vector<1x128xf32>
    %add3A = arith.addf %get3A_3, %dot_general3A_10 : vector<1x128xf32>
    %get3A_11 = arith.constant 1 : index
    %get3A_12 = arith.constant 0 : index
    %get3A_13 = vector.load %arg1[%get3A_11, %get3A_12] : memref<8x64xf32, #tpu.memory_space<vmem>>, vector<1x64xf32>
    %get3A_14 = arith.constant 0 : index
    %get3A_15 = arith.constant 64 : index
    %get3A_16 = vector.load %arg2[%get3A_14, %get3A_15] : memref<128x512xf32, #tpu.memory_space<vmem>>, vector<128x64xf32>
    %dot_general3A_17 = arith.constant dense<0.000000e+00> : vector<1x128xf32>
    %dot_general3A_18 = tpu.matmul %get3A_13, %get3A_16, %dot_general3A_17 {dimension_numbers = #tpu.dot_dimension_numbers<[1], [1], [0], [0], [0, 0, 1, 0], [], []>, transpose_lhs_hint = false} : vector<1x64xf32>, vector<128x64xf32>, vector<1x128xf32> -> vector<1x128xf32>
    %add3A_19 = arith.addf %add3A, %dot_general3A_18 : vector<1x128xf32>
    %get3A_20 = arith.constant 2 : index
    %get3A_21 = arith.constant 0 : index
    %get3A_22 = vector.load %arg1[%get3A_20, %get3A_21] : memref<8x64xf32, #tpu.memory_space<vmem>>, vector<1x64xf32>
    %get3A_23 = arith.constant 0 : index
    %get3A_24 = arith.constant 128 : index
    %get3A_25 = vector.load %arg2[%get3A_23, %get3A_24] : memref<128x512xf32, #tpu.memory_space<vmem>>, vector<128x64xf32>
    %dot_general3A_26 = arith.constant dense<0.000000e+00> : vector<1x128xf32>
    %dot_general3A_27 = tpu.matmul %get3A_22, %get3A_25, %dot_general3A_26 {dimension_numbers = #tpu.dot_dimension_numbers<[1], [1], [0], [0], [0, 0, 1, 0], [], []>, transpose_lhs_hint = false} : vector<1x64xf32>, vector<128x64xf32>, vector<1x128xf32> -> vector<1x128xf32>
    %add3A_28 = arith.addf %add3A_19, %dot_general3A_27 : vector<1x128xf32>
    %get3A_29 = arith.constant 3 : index
    %get3A_30 = arith.constant 0 : index
    %get3A_31 = vector.load %arg1[%get3A_29, %get3A_30] : memref<8x64xf32, #tpu.memory_space<vmem>>, vector<1x64xf32>
    %get3A_32 = arith.constant 0 : index
    %get3A_33 = arith.constant 192 : index
    %get3A_34 = vector.load %arg2[%get3A_32, %get3A_33] : memref<128x512xf32, #tpu.memory_space<vmem>>, vector<128x64xf32>
    %dot_general3A_35 = arith.constant dense<0.000000e+00> : vector<1x128xf32>
    %dot_general3A_36 = tpu.matmul %get3A_31, %get3A_34, %dot_general3A_35 {dimension_numbers = #tpu.dot_dimension_numbers<[1], [1], [0], [0], [0, 0, 1, 0], [], []>, transpose_lhs_hint = false} : vector<1x64xf32>, vector<128x64xf32>, vector<1x128xf32> -> vector<1x128xf32>
    %add3A_37 = arith.addf %add3A_28, %dot_general3A_36 : vector<1x128xf32>
    %get3A_38 = arith.constant 4 : index
    %get3A_39 = arith.constant 0 : index
    %get3A_40 = vector.load %arg1[%get3A_38, %get3A_39] : memref<8x64xf32, #tpu.memory_space<vmem>>, vector<1x64xf32>
    %get3A_41 = arith.constant 0 : index
    %get3A_42 = arith.constant 256 : index
    %get3A_43 = vector.load %arg2[%get3A_41, %get3A_42] : memref<128x512xf32, #tpu.memory_space<vmem>>, vector<128x64xf32>
    %dot_general3A_44 = arith.constant dense<0.000000e+00> : vector<1x128xf32>
    %dot_general3A_45 = tpu.matmul %get3A_40, %get3A_43, %dot_general3A_44 {dimension_numbers = #tpu.dot_dimension_numbers<[1], [1], [0], [0], [0, 0, 1, 0], [], []>, transpose_lhs_hint = false} : vector<1x64xf32>, vector<128x64xf32>, vector<1x128xf32> -> vector<1x128xf32>
    %add3A_46 = arith.addf %add3A_37, %dot_general3A_45 : vector<1x128xf32>
    %get3A_47 = arith.constant 5 : index
    %get3A_48 = arith.constant 0 : index
    %get3A_49 = vector.load %arg1[%get3A_47, %get3A_48] : memref<8x64xf32, #tpu.memory_space<vmem>>, vector<1x64xf32>
    %get3A_50 = arith.constant 0 : index
    %get3A_51 = arith.constant 320 : index
    %get3A_52 = vector.load %arg2[%get3A_50, %get3A_51] : memref<128x512xf32, #tpu.memory_space<vmem>>, vector<128x64xf32>
    %dot_general3A_53 = arith.constant dense<0.000000e+00> : vector<1x128xf32>
    %dot_general3A_54 = tpu.matmul %get3A_49, %get3A_52, %dot_general3A_53 {dimension_numbers = #tpu.dot_dimension_numbers<[1], [1], [0], [0], [0, 0, 1, 0], [], []>, transpose_lhs_hint = false} : vector<1x64xf32>, vector<128x64xf32>, vector<1x128xf32> -> vector<1x128xf32>
    %add3A_55 = arith.addf %add3A_46, %dot_general3A_54 : vector<1x128xf32>
    %get3A_56 = arith.constant 6 : index
    %get3A_57 = arith.constant 0 : index
    %get3A_58 = vector.load %arg1[%get3A_56, %get3A_57] : memref<8x64xf32, #tpu.memory_space<vmem>>, vector<1x64xf32>
    %get3A_59 = arith.constant 0 : index
    %get3A_60 = arith.constant 384 : index
    %get3A_61 = vector.load %arg2[%get3A_59, %get3A_60] : memref<128x512xf32, #tpu.memory_space<vmem>>, vector<128x64xf32>
    %dot_general3A_62 = arith.constant dense<0.000000e+00> : vector<1x128xf32>
    %dot_general3A_63 = tpu.matmul %get3A_58, %get3A_61, %dot_general3A_62 {dimension_numbers = #tpu.dot_dimension_numbers<[1], [1], [0], [0], [0, 0, 1, 0], [], []>, transpose_lhs_hint = false} : vector<1x64xf32>, vector<128x64xf32>, vector<1x128xf32> -> vector<1x128xf32>
    %add3A_64 = arith.addf %add3A_55, %dot_general3A_63 : vector<1x128xf32>
    %get3A_65 = arith.constant 7 : index
    %get3A_66 = arith.constant 0 : index
    %get3A_67 = vector.load %arg1[%get3A_65, %get3A_66] : memref<8x64xf32, #tpu.memory_space<vmem>>, vector<1x64xf32>
    %get3A_68 = arith.constant 0 : index
    %get3A_69 = arith.constant 448 : index
    %get3A_70 = vector.load %arg2[%get3A_68, %get3A_69] : memref<128x512xf32, #tpu.memory_space<vmem>>, vector<128x64xf32>
    %dot_general3A_71 = arith.constant dense<0.000000e+00> : vector<1x128xf32>
    %dot_general3A_72 = tpu.matmul %get3A_67, %get3A_70, %dot_general3A_71 {dimension_numbers = #tpu.dot_dimension_numbers<[1], [1], [0], [0], [0, 0, 1, 0], [], []>, transpose_lhs_hint = false} : vector<1x64xf32>, vector<128x64xf32>, vector<1x128xf32> -> vector<1x128xf32>
    %add3A_73 = arith.addf %add3A_64, %dot_general3A_72 : vector<1x128xf32>
    %swap3A = arith.constant 0 : index
    %swap3A_74 = arith.constant 0 : index
    %swap3A_75 = vector.load %arg5[%swap3A, %swap3A_74] : memref<1x128xf32, #tpu.memory_space<vmem>>, vector<1x128xf32>
    tpu.vector_store %arg5[%swap3A, %swap3A_74], %add3A_73 {strides = array<i32>} : memref<1x128xf32, #tpu.memory_space<vmem>>, vector<1x128xf32>,
    %eq3A_76 = arith.constant 24 : i32
    %eq3A_77 = arith.cmpi eq, %arg0, %eq3A_76 : i32
    %convert_element_type3A_78 = arith.extui %eq3A_77 : i1 to i32
    %cond3A_79 = arith.constant 0 : i32
    %cond3A_80 = arith.cmpi ne, %convert_element_type3A_78, %cond3A_79 : i32
    scf.if %cond3A_80 {
      %max3A = arith.constant 0.000000e+00 : f32
      %max3A_81 = vector.broadcast %max3A : f32 to vector<1x128xf32>
      %max3A_82 = arith.maximumf %add3A_73, %max3A_81 : vector<1x128xf32>
      %swap3A_83 = arith.constant 0 : index
      %swap3A_84 = arith.constant 0 : index
      %swap3A_85 = vector.load %arg4[%swap3A_83, %swap3A_84] : memref<1x128xf32, #tpu.memory_space<vmem>>, vector<1x128xf32>
      tpu.vector_store %arg4[%swap3A_83, %swap3A_84], %max3A_82 {strides = array<i32>} : memref<1x128xf32, #tpu.memory_space<vmem>>, vector<1x128xf32>,
    } else {
    }
    return
  }
  func.func @transform_0(%arg0: i32) -> (i32, i32) {
    %c0_i32 = arith.constant 0 : i32
    %c0_i32_0 = arith.constant 0 : i32
    return %arg0, %c0_i32 : i32, i32
  }
  func.func @transform_1(%arg0: i32) -> (i32, i32) {
    %c0_i32 = arith.constant 0 : i32
    %c0_i32_0 = arith.constant 0 : i32
    return %c0_i32, %arg0 : i32, i32
  }
  func.func @transform_2(%arg0: i32) -> (i32, i32) {
    %c0_i32 = arith.constant 0 : i32
    %c0_i32_0 = arith.constant 0 : i32
    %c0_i32_1 = arith.constant 0 : i32
    return %c0_i32, %c0_i32_0 : i32, i32
  }
  func.func @transform_3(%arg0: i32) -> (i32, i32) {
    %c0_i32 = arith.constant 0 : i32
    %c0_i32_0 = arith.constant 0 : i32
    %c0_i32_1 = arith.constant 0 : i32
    return %c0_i32, %c0_i32_0 : i32, i32
  }
}

module attributes {stable_mosaic.version = 14 : i64} {
  func.func @body(%arg0: i32, %arg1: memref<1x128xf32, #tpu.memory_space<vmem>>, %arg2: memref<4096x128xf32, #tpu.memory_space<vmem>>, %arg3: memref<1x4096xf32, #tpu.memory_space<vmem>>, %arg4: memref<1x4096xf32, #tpu.memory_space<vmem>>) attributes {dimension_semantics = [#tpu.dimension_semantics<parallel>], iteration_bounds = array<i64: 25>, scalar_prefetch = 0 : i64, scratch_operands = 0 : i64, tpu.core_type = #tpu.core_type<tc>, window_params = [{pipeline_mode = #tpu.pipeline_mode<synchronous>, transform_indices = @transform_0, window_bounds = array<i64: 1, 128>}, {transform_indices = @transform_1, window_bounds = array<i64: 4096, 128>}, {transform_indices = @transform_2, window_bounds = array<i64: 1, 4096>}, {transform_indices = @transform_3, window_bounds = array<i64: 1, 4096>}]} {
    %get3A = arith.constant 0 : index
    %get3A_0 = arith.constant 0 : index
    %get3A_1 = vector.load %arg1[%get3A, %get3A_0] : memref<1x128xf32, #tpu.memory_space<vmem>>, vector<1x128xf32>
    %convert_element_type3A = arith.truncf %get3A_1 : vector<1x128xf32> to vector<1x128xbf16>
    %get3A_2 = arith.constant 0 : index
    %get3A_3 = arith.constant 0 : index
    %get3A_4 = vector.load %arg2[%get3A_2, %get3A_3] : memref<4096x128xf32, #tpu.memory_space<vmem>>, vector<4096x128xf32>
    %convert_element_type3A_5 = arith.truncf %get3A_4 : vector<4096x128xf32> to vector<4096x128xbf16>
    %dot_general3A = arith.constant dense<0.000000e+00> : vector<1x4096xf32>
    %dot_general3A_6 = tpu.matmul %convert_element_type3A, %convert_element_type3A_5, %dot_general3A {dimension_numbers = #tpu.dot_dimension_numbers<[1], [1], [0], [0], [0, 0, 1, 0], [], []>, transpose_lhs_hint = false} : vector<1x128xbf16>, vector<4096x128xbf16>, vector<1x4096xf32> -> vector<1x4096xf32>
    %get3A_7 = arith.constant 0 : index
    %get3A_8 = arith.constant 0 : index
    %get3A_9 = vector.load %arg3[%get3A_7, %get3A_8] : memref<1x4096xf32, #tpu.memory_space<vmem>>, vector<1x4096xf32>
    %add3A = arith.addf %dot_general3A_6, %get3A_9 : vector<1x4096xf32>
    %swap3A = arith.constant 0 : index
    %swap3A_10 = arith.constant 0 : index
    %swap3A_11 = vector.load %arg4[%swap3A, %swap3A_10] : memref<1x4096xf32, #tpu.memory_space<vmem>>, vector<1x4096xf32>
    tpu.vector_store %arg4[%swap3A, %swap3A_10], %add3A {strides = array<i32>} : memref<1x4096xf32, #tpu.memory_space<vmem>>, vector<1x4096xf32>,
    return
  }
  func.func @transform_0(%arg0: i32) -> (i32, i32) {
    %c0_i32 = arith.constant 0 : i32
    %c0_i32_0 = arith.constant 0 : i32
    %c0_i32_1 = arith.constant 0 : i32
    return %c0_i32, %c0_i32_0 : i32, i32
  }
  func.func @transform_1(%arg0: i32) -> (i32, i32) {
    %c0_i32 = arith.constant 0 : i32
    %c0_i32_0 = arith.constant 0 : i32
    return %arg0, %c0_i32 : i32, i32
  }
  func.func @transform_2(%arg0: i32) -> (i32, i32) {
    %c0_i32 = arith.constant 0 : i32
    %c0_i32_0 = arith.constant 0 : i32
    return %c0_i32, %arg0 : i32, i32
  }
  func.func @transform_3(%arg0: i32) -> (i32, i32) {
    %c0_i32 = arith.constant 0 : i32
    %c0_i32_0 = arith.constant 0 : i32
    return %c0_i32, %arg0 : i32, i32
  }
}

module attributes {stable_mosaic.version = 14 : i64} {
  func.func @body(%arg0: memref<1x100000xf32, #tpu.memory_space<vmem>>, %arg1: memref<1x100000xf32, #tpu.memory_space<vmem>>) attributes {dimension_semantics = [], scalar_prefetch = 0 : i64, scratch_operands = 0 : i64, tpu.core_type = #tpu.core_type<tc>} {
    %get3A = arith.constant 0 : index
    %get3A_0 = arith.constant 0 : index
    %get3A_1 = vector.load %arg0[%get3A, %get3A_0] : memref<1x100000xf32, #tpu.memory_space<vmem>>, vector<1x100000xf32>
    %reduce_max3A = vector.shape_cast %get3A_1 : vector<1x100000xf32> to vector<1x1x100000xf32>
    %reduce_max3A_2 = arith.constant dense<0xFF800000> : vector<1xf32>
    %reduce_max3A_3 = vector.multi_reduction <maximumf>, %reduce_max3A, %reduce_max3A_2 [1, 2] : vector<1x1x100000xf32> to vector<1xf32>
    %reduce_max3A_4 = vector.shape_cast %reduce_max3A_3 : vector<1xf32> to vector<1x1x1xf32>
    %reduce_max3A_5 = vector.extract %reduce_max3A_4[0, 0, 0] : f32 from vector<1x1x1xf32>
    %sub3A = vector.broadcast %reduce_max3A_5 : f32 to vector<1x100000xf32>
    %sub3A_6 = arith.subf %get3A_1, %sub3A : vector<1x100000xf32>
    %exp3A = math.exp %sub3A_6 : vector<1x100000xf32>
    %reduce_sum3A = vector.shape_cast %exp3A : vector<1x100000xf32> to vector<1x1x100000xf32>
    %reduce_sum3A_7 = arith.constant dense<0.000000e+00> : vector<1xf32>
    %reduce_sum3A_8 = vector.multi_reduction <add>, %reduce_sum3A, %reduce_sum3A_7 [1, 2] : vector<1x1x100000xf32> to vector<1xf32>
    %reduce_sum3A_9 = vector.shape_cast %reduce_sum3A_8 : vector<1xf32> to vector<1x1x1xf32>
    %reduce_sum3A_10 = vector.extract %reduce_sum3A_9[0, 0, 0] : f32 from vector<1x1x1xf32>
    %log3A = math.log %reduce_sum3A_10 : f32
    %add3A = arith.addf %log3A, %reduce_max3A_5 : f32
    %sub3A_11 = vector.broadcast %add3A : f32 to vector<1x100000xf32>
    %sub3A_12 = arith.subf %get3A_1, %sub3A_11 : vector<1x100000xf32>
    %swap3A = arith.constant 0 : index
    %swap3A_13 = arith.constant 0 : index
    %swap3A_14 = vector.load %arg1[%swap3A, %swap3A_13] : memref<1x100000xf32, #tpu.memory_space<vmem>>, vector<1x100000xf32>
    tpu.vector_store %arg1[%swap3A, %swap3A_13], %sub3A_12 {strides = array<i32>} : memref<1x100000xf32, #tpu.memory_space<vmem>>, vector<1x100000xf32>,
    return
  }
}

</mosaic_0001>

<sc_bundles>
// kernel: kernel.6.cloned.1.call-start
scs
__scs_entry_jumppad:
0x0: {  	(pc) =	sbr.rel $0x88, $3  }
0x1: {  	(tag) =	ssettag $0x0;
	lr =	simm.s32 $0x1  }
0x2: {  	[smem:$0x3F9B] =	sst lr;
	_ =	strace $0xD0000000  }
0x3: {  	_ = 	snop  }
0x4: {  	_ = 	snop  }
0x5: {  	_ = 	snop  }
0x6: {  	_ = 	snop  }
0x7: {  	_ = 	snop  }
__scs_overlays_trampoline_lowered:
0x8: {  	[smem:$0x3FAA] =	sst s0  }
0x9: {  	[smem:$0x3FAB] =	sst s1  }
0xa: {  	[smem:$0x3FAC] =	sst s2  }
0xb: {  	[smem:$0x3FAD] =	sst s3  }
0xc: {  	[smem:$0x3FAE] =	sst s4  }
0xd: {  	[smem:$0x3FAF] =	sst s5  }
0xe: {  	[smem:$0x3FB0] =	sst s6  }
0xf: {  	[smem:$0x3FB1] =	sst s7  }
0x10: {  	[smem:$0x3FB2] =	sst s8  }
0x11: {  	[smem:$0x3FB3] =	sst s9;
	s0 =	simm.s32 @!p0 $0x0  }
0x12: {  	s1 =	sld [smem:$0x3F99];
	s0 =	simm.s32 @p0 $0x1  }
0x13: {  	[smem:$0x3FB4] =	sst s0;
	s0 =	simm.s32 @!p1 $0x0  }
0x14: {  	s2 =	sld [smem:$0x3F98];
	s0 =	simm.s32 @p1 $0x1  }
0x15: {  	[smem:$0x3FB5] =	sst s0;
	s0 =	simm.s32 @!p2 $0x0  }
0x16: {  	s3 =	sld [smem:$0x3FDB];
	s0 =	simm.s32 @p2 $0x1  }
0x17: {  	s4 =	simm.s32 $0x1BF5;
	[smem:$0x3FB7] =	sst s0  }
0x18: {  	s0 =	sld [smem:$0x3F9A];
	_ =	swait.ge [sflag:s4], $0x0  }
0x19: {  	s7 =	sld [smem:$0x3F9B]  }
0x1a: {  	s8 =	sadd.s32 $0xFFFFE003, lr  }
0x1b: {  	s9 =	sadd.s32 $0xFFFFFEF7, lr;
	s5 =	simm.s32 $0xFFFFFFFF;
	p2 =	slt.u32 s8, $0xFFFFF086  }
0x1c: {  	p1 =	slt.u32 s9, $0xF7A;
	s5 =	simm.s32 @!p2 $0x0  }
0x1d: {  	s5 =	simm.s32 @p1 $0x1;
	p0 =	seq.s32 s7, s2  }
0x1e: {  	s7 =	smul.u32 @!p0 $0xF7A, s2;
	p2 =	seq.s32 @!p0 s5, $0x0  }
0x1f: {  	s9 =	smul.u32 $0xF7A, s1;
	s8 =	simm.s32 @!p0 $0x1BF5;
	p2 =	por !p2, p0  }
0x20: {  	[sflag:s8] =	ssyncset.s32 @!p0 $0xFFFFF086;
	s6 =	sadd.s32 @!p0 s3, s7;
	s7 =	simm.s32 @!p0 $0x108  }
0x21: {  	s3 =	sadd.s32 s3, s9;
	s6 =	sadd.s32 @!p0 $0x88, s6;
	s7 =	simm.s32 @p2 $0x1082  }
0x22: {  	[simem:s7], [sflag:s8] =	dma.local @!p0 [hbm:s6], $0xF7A  }
0x23: {  	s9 =	sor.u32 $0xD0000000, s2;
	s6 =	simm.s32 $0x108;
	_ =	swait.ge @!p0 [sflag:s8], $0x0  }
0x24: {  	s3 =	sadd.s32 $0x88, s3;
	s6 =	simm.s32 @!p1 $0x1082;
	[sflag:s4] =	ssyncset.s32 $0xFFFFF086  }
0x25: {  	[simem:s6], [sflag:s4] =	dma.local [hbm:s3], $0xF7A  }
0x26: {  	[smem:$0x3F9B] =	sst s1;
	(tag) =	ssettag s2;
	_ =	strace s9  }
0x27: {  	s1 =	sld [smem:$0x3FAB]  }
0x28: {  	s2 =	sld [smem:$0x3FAC]  }
0x29: {  	s4 =	sld [smem:$0x3FAE]  }
0x2a: {  	p0 =	seq.s32 s5, $0x0;
	s5 =	sld [smem:$0x3FAF]  }
0x2b: {  	s6 =	sld [smem:$0x3FB0]  }
0x2c: {  	s7 =	sld [smem:$0x3FB1]  }
0x2d: {  	s3 =	simm.s32 $0x108;
	s8 =	sld [smem:$0x3FB2]  }
0x2e: {  	s3 =	simm.s32 @!p0 $0x1082;
	s9 =	sld [smem:$0x3FB3]  }
0x2f: {  	lr =	sadd.s32 s0, s3;
	s0 =	sld [smem:$0x3FAA]  }
0x30: {  	s3 =	sld [smem:$0x3FAD]  }
0x31: {  	[smem:$0x3FB6] =	sst s10  }
0x32: {  	s10 =	sld [smem:$0x3FB4];
	_ =	sdelay $0x3  }
0x33: {  	p0 =	seq.s32 s10, $0x1;
	s10 =	sld [smem:$0x3FB6];
	_ =	sdelay $0x3  }
0x34: {  	[smem:$0x3FB6] =	sst s10  }
0x35: {  	s10 =	sld [smem:$0x3FB5];
	_ =	sdelay $0x3  }
0x36: {  	p1 =	seq.s32 s10, $0x1;
	s10 =	sld [smem:$0x3FB6];
	_ =	sdelay $0x3  }
0x37: {  	[smem:$0x3FB6] =	sst s10  }
0x38: {  	s10 =	sld [smem:$0x3FB7]  }
0x39: {  	_ = 	snop;
	(pc) =	sbr.ind lr, $3  }
0x3a: {  	_ = 	snop  }
0x3b: {  	_ = 	snop  }
0x3c: {  	p2 =	seq.s32 s10, $0x1;
	s10 =	sld [smem:$0x3FB6]  }
0x3d: {  	_ =	shalt  }
0x3e: {  	_ =	shalt  }
0x3f: {  	_ =	shalt  }
0x40: {  	_ =	shalt  }
0x41: {  	_ =	shalt  }
0x42: {  	_ =	shalt  }
0x43: {  	_ =	shalt  }
0x44: {  	_ =	shalt  }
0x45: {  	_ =	shalt  }
0x46: {  	_ =	shalt  }
0x47: {  	_ =	shalt  }
0x48: {  	_ =	shalt  }
0x49: {  	_ =	shalt  }
0x4a: {  	_ =	shalt  }
0x4b: {  	_ =	shalt  }
0x4c: {  	_ =	shalt  }
0x4d: {  	_ =	shalt  }
0x4e: {  	_ =	shalt  }
0x4f: {  	_ =	shalt  }
0x50: {  	_ =	shalt  }
0x51: {  	_ =	shalt  }
0x52: {  	_ =	shalt  }
0x53: {  	_ =	shalt  }
0x54: {  	_ =	shalt  }
0x55: {  	_ =	shalt  }
0x56: {  	_ =	shalt  }
0x57: {  	_ =	shalt  }
0x58: {  	_ =	shalt  }
0x59: {  	_ =	shalt  }
0x5a: {  	_ =	shalt  }
0x5b: {  	_ =	shalt  }
0x5c: {  	_ =	shalt  }
0x5d: {  	_ =	shalt  }
0x5e: {  	_ =	shalt  }
0x5f: {  	_ =	shalt  }
0x60: {  	_ =	shalt  }
0x61: {  	_ =	shalt  }
0x62: {  	_ =	shalt  }
0x63: {  	_ =	shalt  }
0x64: {  	_ =	shalt  }
0x65: {  	_ =	shalt  }
0x66: {  	_ =	shalt  }
0x67: {  	_ =	shalt  }
0x68: {  	_ =	shalt  }
0x69: {  	_ =	shalt  }
0x6a: {  	_ =	shalt  }
0x6b: {  	_ =	shalt  }
0x6c: {  	_ =	shalt  }
0x6d: {  	_ =	shalt  }
0x6e: {  	_ =	shalt  }
0x6f: {  	_ =	shalt  }
0x70: {  	_ =	shalt  }
0x71: {  	_ =	shalt  }
0x72: {  	_ =	shalt  }
0x73: {  	_ =	shalt  }
0x74: {  	_ =	shalt  }
0x75: {  	_ =	shalt  }
0x76: {  	_ =	shalt  }
0x77: {  	_ =	shalt  }
0x78: {  	_ =	shalt  }
0x79: {  	_ =	shalt  }
0x7a: {  	_ =	shalt  }
0x7b: {  	_ =	shalt  }
0x7c: {  	_ =	shalt  }
0x7d: {  	_ =	shalt  }
0x7e: {  	_ =	shalt  }
0x7f: {  	_ =	shalt  }
0x80: {  	_ =	shalt  }
0x81: {  	_ =	shalt  }
0x82: {  	_ =	shalt  }
0x83: {  	_ =	shalt  }
0x84: {  	_ =	shalt  }
0x85: {  	_ =	shalt  }
0x86: {  	_ =	shalt  }
0x87: {  	_ =	shalt  }
.Lfunc_end0:
.L_simem_size_0:
called_computation_lowered:
.L_overlay_start_0:
0x88: {  	s2 =	sld [smem:$0x3FD9]  }
0x89: {  	s3 =	sld [smem:$0x3FFE];
	_ =	sdelay $0x1  }
0x8a: {  	s1 =	srdreg.scid  }
0x8b: {  	s0 =	sand.u32 $0x1, s1  }
0x8c: {  	s17 =	sshll.u32 s0, $0xA;
	s2 =	sadd.s32 s3, s2  }
0x8d: {  	s2 =	sadd.s32 s2, s17  }
0x8e: {  	[smem:$0x3FC2] =	sst s2  }
0x8f: {  	_ = 	snop  }
0x90: {  	s2 =	sld [smem:$0x3FD0];
	(tm) =	ssettm $0x1  }
0x91: {  	s18 =	sld [smem:$0x3FFB];
	_ =	sdelay $0x3  }
0x92: {  	_ =	strace s18  }
0x93: {  	s3 =	sld [smem:$0x3FFC];
	_ =	sdelay $0x3  }
0x94: {  	_ =	strace s3  }
0x95: {  	s3 =	sld [smem:$0x3FFD];
	_ =	sdelay $0x3  }
0x96: {  	_ =	strace s3  }
0x97: {  	_ =	strace $0x8FFFFFFF  }
0x98: {  	s19 =	sld [smem:$0x3FDB];
	_ =	sdelay $0x1  }
0x99: {  	s4 =	simm.s32 $_scs_section_size  }
0x9a: {  	s5 =	simm.s32 $_size__tile_overlayer_lowered;
	s6 =	simm.s32 $_tile_overlayer_lowered  }
0x9b: {  	s22 =	simm.s32 $0x1BFF;
	s21 =	sshll.u32 s6, $0x1;
	s3 =	sadd.s32 s4, s19  }
0x9c: {  	s7 =	simm.s32 $0x0;
	s20 =	sshll.u32 s5, $0x1;
	s5 =	sadd.s32 s21, s3  }
0x9d: {  	[timem:s7], [sflag:s22] =	dma.local [hbm:s5], s20  }
0x9e: {  	_ =	swait.ge [sflag:s22], s20  }
0x9f: {  	s4 =	ssub.s32 $0x0, s20;
	[sflag:s22] =	ssyncset.done $0x0  }
0xa0: {  	[sflag:s22] =	ssyncadd.s32 s4;
	_ =	sdelay $0x1  }
0xa1: {  	s23 =	simm.s32 $0x1B8B  }
0xa2: {  	_ =	swait.ge [sflag:s23], $0x1  }
0xa3: {  	[sflag:s23] =	ssyncset.done $0x0  }
0xa4: {  	s25 =	simm.s32 $0x1B8E;
	s24 =	sld [smem:$0x3FFE];
	[sflag:s23] =	ssyncadd.s32 $0xFFFFFFFF  }
0xa5: {  	s26 =	simm.s32 $execute0_lowered;
	[smem:$0x3FD2] =	sst s25  }
0xa6: {  	s5 =	sshll.u32 s26, $0x1;
	_ =	strace $0x80000046;
	[dreg:$0x1] =	wrdreg $0xFFFFFFFF  }
0xa7: {  	s28 =	simm.s32 $_size_execute0_lowered;
	s3 =	sadd.s32 s3, s5;
	[dreg:$0x0] =	wrdreg $0x0  }
0xa8: {  	s5 =	sshll.u32 s28, $0x1;
	[dreg:$0x2] =	wrdreg s3  }
0xa9: {  	[dreg:$0x3] =	wrdreg s5  }
0xaa: {  	[dreg:$0x4] =	wrdreg $0xC0  }
0xab: {  	_ =	task [dreg:s7], $0x5FFFF  }
0xac: {  	[dreg:$0x1] =	wrdreg $0xFFFFFFFF  }
0xad: {  	[dreg:$0x0] =	wrdreg $0x60  }
0xae: {  	[dreg:$0x2] =	wrdreg s24  }
0xaf: {  	[dreg:$0x3] =	wrdreg s2  }
0xb0: {  	[dreg:$0x4] =	wrdreg $0x9  }
0xb1: {  	_ =	task.clear_ibuf [dreg:s7], $0x5FFFF;
	_ =	strace $0x90000046  }
0xb2: {  	s29 =	simm.s32 $0x9;
	_ =	strace $0x80000048  }
0xb3: {  	_ =	swait.ge [sflag:s29], $0x1  }
0xb4: {  	[sflag:s29] =	ssyncadd.s32 $0xFFFFFFFF  }
0xb5: {  	_ =	strace $0x90000048  }
0xb6: {  	_ =	sfence  }
0xb7: {  	s30 =	sld [smem:$0x0];
	_ =	sdelay $0x2  }
0xb8: {  	s31 =	sshll.u32 s1, $0xD;
	s1 =	sshrl.u32 s1, $0x2  }
0xb9: {  	s3 =	sand.u32 $0x4000, s31;
	s1 =	sadd.s32 s1, s30  }
0xba: {  	s0 =	sor.u32 s3, s0;
	s1 =	sshll.u32 s1, $0x11  }
0xbb: {  	s0 =	sor.u32 s1, s0  }
0xbc: {  	s0 =	sadd.s32 $0x8F2B, s0  }
0xbd: {  	[sflag:s0] =	ssyncadd.remote.s32 $0x1  }
0xbe: {  	_ =	sfence.sel $0xFFFF  }
0xbf: {  	[dreg:$0x0] =	wrdreg $0xFFFFFFFF;
	(pc) =	sbr.abs _section_cstart, $3  }
0xc0: {  	[dreg:$0x1] =	wrdreg $0xFFFFFFFF  }
0xc1: {  	_ =	task.clear_ibuf [dreg:s7], $0x2FFFF;
	_ =	strace $0x9FFFFFFF  }
0xc2: {  	(tm) =	ssettm $0x7FFFFFFF  }
0xc3: {  	_ =	shalt  }
tec
execute0_lowered:
.L_overlay_start_1:
0x0: {  	(tag) =	ssettag $0x1  }
0x1: {  	s1 =	srdreg.scid  }
0x2: {  	s0 =	stileid.u32;
	s6 =	sand.u32 $0x1, s1  }
0x3: {  	s5 =	rddreg [dreg:$0x0];
	s30 =	sshll.u32 s0, $0x5;
	s2 =	sshll.u32 s6, $0x4  }
0x4: {  	s8 =	rddreg [dreg:$0x1];
	s9 =	sor.u32 s2, s30  }
0x5: {  	s1 =	rddreg [dreg:$0x2];
	s2 =	simm.s32 $0x0;
	s3 =	sshrl.u32 s9, $0x3  }
0x6: {  	s10 =	ssub.s32 $0x2, s6;
	[smem:$0x7FF] =	sst s2;
	s3 =	sadd.s32 s3, s5  }
0x7: {  	_ =	strace $0x80000047;
	s4 =	sadd.s32 $0x1200, s3;
	s3 =	simm.s32 $0x2  }
0x8: {  	[tilespmem:s2], [sflag:$0x2] =	stream.linear.gather [hbm4b:s4+s2], $0x10, $0x38;
	[tilespmem:$0x410] =	vst v63  }
0x9: {  	s7 =	simm.s32 $0x1;
	s11 =	sshrl.u32 s10, $0x1;
	_ =	swait.ge [sflag:s3], $0x10  }
0xa: {  	s6 =	simm.s32 $0x10;
	s10 =	ssub.s32 s10, s11;
	[sflag:s3] =	ssyncset.done $0x0  }
0xb: {  	s5 =	sadd.s32 $0x187C00, s5;
	s31 =	smax.u32 s10, $0x1;
	[sflag:s3] =	ssyncadd.s32 $0xFFFFFFF0  }
0xc: {  	[tilespmem:s6], [sflag:$0x1] =	stream.indirect.gather [hbm4b:s5+s6], $0x40, s2, s6, $0xb8;
	[tilespmem:$0x410] =	vst v63  }
0xd: {  	p0 =	sne.s32 s31, $0x1;
	_ =	swait.ge [sflag:s7], $0x400  }
.Ltmp0:
0xe: {  	s9 =	sshll.u32 s9, $0x3;
	[sflag:s7] =	ssyncset.done $0x0;
	(pc) =	sbr.rel @!p0 .LBB2_2-.Ltmp0, $4  }
0xf: {  	s8 =	sadd.s32 s8, s9;
	[sflag:s7] =	ssyncadd.s32 $0xFFFFFC00  }
0x10: {  	[hbm4b:s8+s2] =	stream.linear.scatter [tilespmem:s6], [sflag:$0x2], $0x400, $0x38;
	[tilespmem:$0x410] =	vst v63  }
0x11: {  	_ =	swait.ge [sflag:s3], $0x400  }
0x12: {  	s9 =	sadd.s32 $0xFFFFFFFF, s31;
	[sflag:s3] =	ssyncset.done $0x0  }
.LBB2_1:
0x13: {  	p0 =	sne.s32 s9, $0x1;
	s9 =	sadd.s32 $0xFFFFFFFF, s9;
	[sflag:s3] =	ssyncadd.s32 $0xFFFFFC00  }
0x14: {  	[tilespmem:s2], [sflag:$0x2] =	stream.linear.gather [hbm4b:s4+s2], $0x10, $0x38;
	[tilespmem:$0x410] =	vst v63  }
0x15: {  	_ =	swait.ge [sflag:s3], $0x10  }
0x16: {  	[sflag:s3] =	ssyncset.done $0x0  }
0x17: {  	[sflag:s3] =	ssyncadd.s32 $0xFFFFFFF0  }
0x18: {  	[tilespmem:s6], [sflag:$0x1] =	stream.indirect.gather [hbm4b:s5+s6], $0x40, s2, s6, $0xb8;
	[tilespmem:$0x410] =	vst v63  }
0x19: {  	_ =	swait.ge [sflag:s7], $0x400  }
.Ltmp1:
0x1a: {  	[sflag:s7] =	ssyncset.done $0x0;
	(pc) =	sbr.rel @p0 .LBB2_1-.Ltmp1, $4  }
0x1b: {  	[sflag:s7] =	ssyncadd.s32 $0xFFFFFC00  }
0x1c: {  	[hbm4b:s8+s2] =	stream.linear.scatter [tilespmem:s6], [sflag:$0x2], $0x400, $0x38;
	[tilespmem:$0x410] =	vst v63  }
0x1d: {  	_ =	swait.ge [sflag:s3], $0x400  }
0x1e: {  	[sflag:s3] =	ssyncset.done $0x0  }
.LBB2_2:
0x1f: {  	[sflag:s3] =	ssyncadd.s32 $0xFFFFFC00  }
0x20: {  	_ =	sfence.sel $0x180000  }
0x21: {  	[bflag:$0x0] =	sbarrier.arrive $0xFFFF  }
0x22: {  	p0 =	sne.s32 s0, $0x0;
	_ =	strace $0x90000047  }
0x23: {  	s0 =	sadd.s32 @!p0 $0x100000, s1;
	[bflag:$0x2] =	sbarrier.arrive $0xFFFF  }
0x24: {  	[sflag:s0] =	ssyncadd.tile.s32 @!p0 $0x1;
	_ =	shalt  }
.Lfunc_end2:
_tile_overlayer_lowered:
.L_overlay_start_2:
0x25: {  	(tag) =	ssettag $0x2  }
0x26: {  	s0 =	rddreg [dreg:$0x0];
	s2 =	stileid.u32  }
0x27: {  	s1 =	rddreg [dreg:$0x1];
	p0 =	sne.s32 s2, $0x0  }
0x28: {  	s3 =	rddreg [dreg:$0x2];
	[bflag:$0x3] =	sbarrier.arrive $0xFFFF;
	s2 =	simm.s32 @!p0 $0x1C02  }
0x29: {  	[timem:s3], [sflag:s2] =	dma.local @!p0 [hbm:s0], s1  }
0x2a: {  	s0 =	simm.s32 @!p0 $0x2  }
0x2b: {  	_ =	swait.ge @!p0 [sflag:s0], s1  }
0x2c: {  	s1 =	ssub.s32 @!p0 $0x0, s1;
	[sflag:s0] =	ssyncset.done @!p0 $0x0  }
0x2d: {  	[sflag:s0] =	ssyncadd.s32 @!p0 s1  }
0x2e: {  	[bflag:$0x3] =	sbarrier.arrive $0xFFFF  }
0x2f: {  	_ =	shalt  }

</sc_bundles>
